<compile_context>
chip_gen: v7x
topology: tpu7x:2x2x1
jax: 0.10.2.dev20260603
libtpu: 0.0.44.dev20260713+nightly
codegen_flags: <defaults>
</compile_context>

<pallas_src>
import functools

import jax
import jax.numpy as jnp
from jax import lax
from jax.experimental import pallas as pl
from jax.experimental.pallas import tpu as pltpu
from jax.experimental.pallas import tpu_sc as plsc

_B = 16384
_NC, _NS, _L = 2, 16, 16
_NW = _NC * _NS
_BPW = _B // _NW
_CH = 128
_NCH = _BPW // _CH
_D_ITEM, _D_BRAND = 64, 16
_BLK = 4096

_HI = lax.Precision.HIGHEST


def _sc_gather(item_idx, brand_idx, item_table, brand_table):
    mesh = plsc.VectorSubcoreMesh(core_axis_name="c", subcore_axis_name="s")

    @functools.partial(
        pl.kernel,
        mesh=mesh,
        compiler_params=pltpu.CompilerParams(use_tc_tiling_on_sc=False),
        out_type=jax.ShapeDtypeStruct((_B, 128), jnp.float32),
        scratch_types=[
            pltpu.VMEM((_BPW,), jnp.int32),
            pltpu.VMEM((_BPW,), jnp.int32),
            pltpu.VMEM((_BPW, _D_ITEM), jnp.float32),
            pltpu.VMEM((_BPW, _D_BRAND), jnp.float32),
            pltpu.SemaphoreType.DMA,
        ],
    )
    def k(ii_hbm, bi_hbm, item_hbm, brand_hbm, out,
          ii_v, bi_v, ri_v, rb_v, sem):
        wid = lax.axis_index("s") * _NC + lax.axis_index("c")
        base = wid * _BPW
        pltpu.sync_copy(ii_hbm.at[pl.ds(base, _BPW)], ii_v)
        pltpu.sync_copy(bi_hbm.at[pl.ds(base, _BPW)], bi_v)
        copies = []
        for j in range(_NCH):
            sl = pl.ds(j * _CH, _CH)
            copies.append(pltpu.async_copy(
                item_hbm.at[ii_v.at[sl]], ri_v.at[sl], sem))
            copies.append(pltpu.async_copy(
                brand_hbm.at[bi_v.at[sl]], rb_v.at[sl], sem))
        for c in copies:
            c.wait()
        pltpu.sync_copy(ri_v, out.at[pl.ds(base, _BPW), pl.ds(0, _D_ITEM)])
        pltpu.sync_copy(rb_v,
                        out.at[pl.ds(base, _BPW), pl.ds(_D_ITEM, _D_BRAND)])

    return k(item_idx, brand_idx, item_table, brand_table)


def _prep_body(fW_ref, oW_ref, pW_ref, pb_ref, tW_ref, tb_ref, et_ref,
               fb_ref, ob_ref, cat_ref, g_ref):
    fW = fW_ref[...]
    oW = oW_ref[...]
    O_item = oW[:, :_D_ITEM]
    O_event = oW[:, 64:72]
    O_time = oW[:, 72:80]
    W80 = fW[:, :80]
    W_cat = fW[:, 80:96]
    W_price = fW[:, 96:112]

    dg = lambda a, b, dims: lax.dot_general(
        a, b, (dims, ((), ())), precision=_HI,
        preferred_element_type=jnp.float32)

    g80 = dg(W80, O_item, ((0,), (1,)))
    m_cat = dg(O_item, W_cat, ((1,), (0,)))
    g_cat = dg(cat_ref[...], m_cat, ((1,), (1,)))
    riota = lax.broadcasted_iota(jnp.int32, (4, 8), 0)
    et0 = jnp.where(riota == 0, 0.0, et_ref[...])
    g_evt = dg(et0, O_event, ((1,), (1,)))
    pv = dg(W_price, pW_ref[...], ((1,), (0,)))
    g_price = dg(pv, O_item, ((0,), (1,)))
    g_time = dg(tW_ref[...], O_time, ((0,), (1,)))
    cb = fb_ref[...] + dg(W_price, pb_ref[...], ((1,), (0,)))
    g_const = (dg(cb, O_item, ((0,), (1,)))
               + dg(tb_ref[...], O_time, ((0,), (1,)))
               + ob_ref[...])
    zero = jnp.zeros((1, 128), jnp.float32)
    g_ref[...] = jnp.concatenate(
        [g80, g_cat, g_evt, g_price, g_time, g_const, zero], axis=0)


def _tc_prep(fusion_W, out_W, price_W, price_b2, time_W, time_b2,
             event_table, fusion_b2, out_b2, cat_table):
    return pl.pallas_call(
        _prep_body,
        out_shape=jax.ShapeDtypeStruct((112, 128), jnp.float32),
    )(fusion_W, out_W, price_W, price_b2, time_W, time_b2, event_table,
      fusion_b2, out_b2, cat_table)


def _main_body(gf_ref, xt_ref, g_ref, out_ref):
    g80 = gf_ref[:, :80]
    iota24 = lax.broadcasted_iota(jnp.int32, (24, 1), 0)
    oh24 = (xt_ref[2:3, :].astype(jnp.int32) == iota24).astype(jnp.float32)
    iota4 = lax.broadcasted_iota(jnp.int32, (4, 1), 0)
    oh4 = (xt_ref[5:6, :].astype(jnp.int32) == iota4).astype(jnp.float32)
    ones = jnp.ones((1, _BLK), jnp.float32)
    zeros = jnp.zeros((1, _BLK), jnp.float32)
    extras_t = jnp.concatenate(
        [oh24, oh4, xt_ref[3:5, :], ones, zeros], axis=0)
    g = g_ref[...]
    acc = lax.dot_general(g80, g[:80], (((1,), (0,)), ((), ())),
                          precision=_HI, preferred_element_type=jnp.float32)
    acc += lax.dot_general(extras_t, g[80:112], (((0,), (0,)), ((), ())),
                           precision=_HI, preferred_element_type=jnp.float32)
    out_ref[...] = acc


def _tc_main(gf, xt, g):
    grid = (_B // _BLK,)
    return pl.pallas_call(
        _main_body,
        grid=grid,
        in_specs=[
            pl.BlockSpec((_BLK, 128), lambda i: (i, 0)),
            pl.BlockSpec((6, _BLK), lambda i: (0, i)),
            pl.BlockSpec((112, 128), lambda i: (0, 0)),
        ],
        out_specs=pl.BlockSpec((_BLK, 128), lambda i: (i, 0)),
        out_shape=jax.ShapeDtypeStruct((_B, 128), jnp.float32),
    )(gf, xt, g)


def kernel(x, item_table, brand_table, cat_table, price_W, price_b,
           fusion_W, fusion_b, event_table, time_W, time_b, out_W, out_b):
    xt = x.T
    ii = x[:, 0].astype(jnp.int32)
    bi = x[:, 1].astype(jnp.int32)
    gf = _sc_gather(ii, bi, item_table, brand_table)
    g = _tc_prep(fusion_W, out_W, price_W, price_b.reshape(16, 1), time_W,
                 time_b.reshape(8, 1), event_table, fusion_b.reshape(64, 1),
                 out_b.reshape(1, 128), cat_table)
    return _tc_main(gf, xt, g)

# --- scband reference (transcript-rebuilt; emitter-appended) ---
"""Pipeline reference for scband-event-encoder-39805756899657 (READ-ONLY COPY).

The authoritative reference and input builder live on the scoring server;
editing this copy changes nothing except your own understanding.
"""

import jax, jax.numpy as jnp
import numpy as np

B = 16384
NUM_ITEMS = 29502
NUM_BRANDS = 1859
NUM_CATS = 24
NUM_EVENT_TYPES = 3
D_ITEM, D_BRAND, D_CAT, D_PRICE = 64, 16, 16, 16


def setup_inputs(seed: int = 0) -> dict:
    key = jax.random.key(seed)
    ks = jax.random.split(key, 16)
    item_idx = jax.random.randint(ks[0], (B,), 0, NUM_ITEMS).astype(jnp.float32)
    brand_idx = jax.random.randint(ks[1], (B,), 0, NUM_BRANDS).astype(jnp.float32)
    cat_idx = jax.random.randint(ks[2], (B,), 0, NUM_CATS).astype(jnp.float32)
    price = jax.random.uniform(ks[3], (B,)) * 100.0
    event_time = jax.random.uniform(ks[4], (B,)) * 720.0
    event_type = jax.random.randint(ks[5], (B,), 0, NUM_EVENT_TYPES + 1).astype(jnp.float32)
    x = jnp.stack([item_idx, brand_idx, cat_idx, price, event_time, event_type], axis=1)
    inp = {
        'x': x,
        'item_table': jax.random.normal(ks[6], (NUM_ITEMS, D_ITEM)) * 0.02,
        'brand_table': jax.random.normal(ks[7], (NUM_BRANDS, D_BRAND)) * 0.02,
        'cat_table': jax.random.normal(ks[8], (NUM_CATS, D_CAT)) * 0.02,
        'price_W': jax.random.normal(ks[9], (D_PRICE, 1)) * 0.02,
        'price_b': jnp.zeros((D_PRICE,)),
        'fusion_W': jax.random.normal(ks[10], (D_ITEM, D_ITEM + D_BRAND + D_CAT + D_PRICE)) * 0.02,
        'fusion_b': jnp.zeros((D_ITEM,)),
        'event_table': jax.random.normal(ks[11], (NUM_EVENT_TYPES + 1, 8)) * 0.02,
        'time_W': jax.random.normal(ks[12], (8, 1)) * 0.02,
        'time_b': jnp.zeros((8,)),
        'out_W': jax.random.normal(ks[13], (128, 64 + 16)) * 0.02,
        'out_b': jnp.zeros((128,)),
    }
    return inp


def reference(x, item_table, brand_table, cat_table, price_W, price_b,
              fusion_W, fusion_b, event_table, time_W, time_b, out_W, out_b):
    item_idx = x[:, 0].astype(jnp.int32)
    brand_idx = x[:, 1].astype(jnp.int32)
    cat_idx = x[:, 2].astype(jnp.int32)
    price = x[:, 3:4]
    event_time = x[:, 4:5]
    event_type = x[:, 5].astype(jnp.int32)

    item_e = jnp.take(item_table, item_idx, axis=0)
    brand_e = jnp.take(brand_table, brand_idx, axis=0)
    cat_e = jnp.take(cat_table, cat_idx, axis=0)
    price_e = price @ price_W.T + price_b
    item_repr = jnp.concatenate([item_e, brand_e, cat_e, price_e], axis=-1)
    item_repr = item_repr @ fusion_W.T + fusion_b

    # padding_idx=0: row 0 is forced to zero
    et = event_table.at[0].set(0.0)
    event_type_e = jnp.take(et, event_type, axis=0)
    event_time_e = event_time @ time_W.T + time_b
    emb_cat = jnp.concatenate([item_repr, event_type_e, event_time_e], axis=-1)
    logits = emb_cat @ out_W.T + out_b
    return logits

if __name__ == "__main__":
    import jax
    _d = setup_inputs()
    print(jax.jit(kernel)(*tuple(_d.values())))

</pallas_src>

<mosaic_0001>
#map = affine_map<(d0, d1) -> (0)>
#map1 = affine_map<(d0, d1) -> (0, 0)>
module attributes {stable_mosaic.version = 14 : i64} {
  func.func @k(%arg0: i32, %arg1: i32, %arg2: memref<16384xi32, #tpu.memory_space<hbm>>, %arg3: memref<16384xi32, #tpu.memory_space<hbm>>, %arg4: memref<29502x64xf32, #tpu.memory_space<hbm>>, %arg5: memref<1859x16xf32, #tpu.memory_space<hbm>>, %arg6: memref<16384x128xf32, #tpu.memory_space<hbm>>, %arg7: memref<512xi32, #tpu.memory_space<vmem>>, %arg8: memref<512xi32, #tpu.memory_space<vmem>>, %arg9: memref<512x64xf32, #tpu.memory_space<vmem>>, %arg10: memref<512x16xf32, #tpu.memory_space<vmem>>, %arg11: memref<!tpu.dma_semaphore, #tpu.memory_space<semaphore_mem>>) attributes {dimension_semantics = [#tpu.dimension_semantics<core_parallel>, #tpu.dimension_semantics<subcore_parallel>], iteration_bounds = array<i64: 2, 16>, scalar_prefetch = 0 : i64, scratch_operands = 5 : i64, tpu.core_type = #tpu.core_type<sc_vector_subcore>, window_params = [{transform_indices = #map}, {transform_indices = #map}, {transform_indices = #map1}, {transform_indices = #map1}, {transform_indices = #map1}]} {
    %mul3A = arith.constant 2 : i32
    %mul3A_0 = arith.muli %arg1, %mul3A : i32
    %add3A = arith.addi %mul3A_0, %arg0 : i32
    %mul3A_1 = arith.constant 512 : i32
    %mul3A_2 = arith.muli %add3A, %mul3A_1 : i32
    "tpu.region"() ({
      %run_scoped3A = tpu.sem_alloc : memref<!tpu.dma_semaphore, #tpu.memory_space<semaphore_mem>>
      %dma_start3A_129 = tpu.memref_slice %arg2[%mul3A_2] : memref<16384xi32, #tpu.memory_space<hbm>> -> memref<512xi32, #tpu.memory_space<hbm>>
      %dma_start3A_130 = tpu.memref_slice %arg2[%mul3A_2] : memref<16384xi32, #tpu.memory_space<hbm>> -> memref<512xi32, #tpu.memory_space<hbm>>
      tpu.enqueue_dma source(%dma_start3A_130 : memref<512xi32, #tpu.memory_space<hbm>>) target(%arg7 : memref<512xi32, #tpu.memory_space<vmem>>) target_semaphore(%run_scoped3A : memref<!tpu.dma_semaphore, #tpu.memory_space<semaphore_mem>>)
      %dma_wait3A_131 = tpu.memref_slice %arg2[%mul3A_2] : memref<16384xi32, #tpu.memory_space<hbm>> -> memref<512xi32, #tpu.memory_space<hbm>>
      %dma_wait3A_132 = tpu.memref_slice %arg2[%mul3A_2] : memref<16384xi32, #tpu.memory_space<hbm>> -> memref<512xi32, #tpu.memory_space<hbm>>
      tpu.wait_dma2 semaphore(%run_scoped3A : memref<!tpu.dma_semaphore, #tpu.memory_space<semaphore_mem>>) src(%dma_wait3A_132 : memref<512xi32, #tpu.memory_space<hbm>>) dst(%arg7 : memref<512xi32, #tpu.memory_space<vmem>>)
      tpu.yield
    }) : () -> ()
    "tpu.region"() ({
      %run_scoped3A = tpu.sem_alloc : memref<!tpu.dma_semaphore, #tpu.memory_space<semaphore_mem>>
      %dma_start3A_129 = tpu.memref_slice %arg3[%mul3A_2] : memref<16384xi32, #tpu.memory_space<hbm>> -> memref<512xi32, #tpu.memory_space<hbm>>
      %dma_start3A_130 = tpu.memref_slice %arg3[%mul3A_2] : memref<16384xi32, #tpu.memory_space<hbm>> -> memref<512xi32, #tpu.memory_space<hbm>>
      tpu.enqueue_dma source(%dma_start3A_130 : memref<512xi32, #tpu.memory_space<hbm>>) target(%arg8 : memref<512xi32, #tpu.memory_space<vmem>>) target_semaphore(%run_scoped3A : memref<!tpu.dma_semaphore, #tpu.memory_space<semaphore_mem>>)
      %dma_wait3A_131 = tpu.memref_slice %arg3[%mul3A_2] : memref<16384xi32, #tpu.memory_space<hbm>> -> memref<512xi32, #tpu.memory_space<hbm>>
      %dma_wait3A_132 = tpu.memref_slice %arg3[%mul3A_2] : memref<16384xi32, #tpu.memory_space<hbm>> -> memref<512xi32, #tpu.memory_space<hbm>>
      tpu.wait_dma2 semaphore(%run_scoped3A : memref<!tpu.dma_semaphore, #tpu.memory_space<semaphore_mem>>) src(%dma_wait3A_132 : memref<512xi32, #tpu.memory_space<hbm>>) dst(%arg8 : memref<512xi32, #tpu.memory_space<vmem>>)
      tpu.yield
    }) : () -> ()
    %dma_start3A = arith.constant 0 : i32
    %dma_start3A_3 = arith.constant 0 : i32
    %dma_start3A_4 = tpu.memref_slice %arg9[%dma_start3A, %dma_start3A_3] : memref<512x64xf32, #tpu.memory_space<vmem>> -> memref<128x64xf32, #tpu.memory_space<vmem>>
    %dma_start3A_5 = arith.constant 0 : i32
    %dma_start3A_6 = tpu.memref_slice %arg7[%dma_start3A_5] : memref<512xi32, #tpu.memory_space<vmem>> -> memref<128xi32, #tpu.memory_space<vmem>>
    %dma_start3A_7 = arith.constant 0 : i32
    %dma_start3A_8 = arith.constant 0 : i32
    %dma_start3A_9 = tpu.memref_slice %arg4[%dma_start3A_7, %dma_start3A_8] : memref<29502x64xf32, #tpu.memory_space<hbm>> -> memref<29502x64xf32, #tpu.memory_space<hbm>>
    tpu.enqueue_indirect_dma source(%dma_start3A_9 : memref<29502x64xf32, #tpu.memory_space<hbm>>) target(%dma_start3A_4 : memref<128x64xf32, #tpu.memory_space<vmem>>) offsets(%dma_start3A_6 : memref<128xi32, #tpu.memory_space<vmem>>) semaphore(%arg11 : memref<!tpu.dma_semaphore, #tpu.memory_space<semaphore_mem>>)
    %dma_start3A_10 = arith.constant 0 : i32
    %dma_start3A_11 = arith.constant 0 : i32
    %dma_start3A_12 = tpu.memref_slice %arg10[%dma_start3A_10, %dma_start3A_11] : memref<512x16xf32, #tpu.memory_space<vmem>> -> memref<128x16xf32, #tpu.memory_space<vmem>>
    %dma_start3A_13 = arith.constant 0 : i32
    %dma_start3A_14 = tpu.memref_slice %arg8[%dma_start3A_13] : memref<512xi32, #tpu.memory_space<vmem>> -> memref<128xi32, #tpu.memory_space<vmem>>
    %dma_start3A_15 = arith.constant 0 : i32
    %dma_start3A_16 = arith.constant 0 : i32
    %dma_start3A_17 = tpu.memref_slice %arg5[%dma_start3A_15, %dma_start3A_16] : memref<1859x16xf32, #tpu.memory_space<hbm>> -> memref<1859x16xf32, #tpu.memory_space<hbm>>
    tpu.enqueue_indirect_dma source(%dma_start3A_17 : memref<1859x16xf32, #tpu.memory_space<hbm>>) target(%dma_start3A_12 : memref<128x16xf32, #tpu.memory_space<vmem>>) offsets(%dma_start3A_14 : memref<128xi32, #tpu.memory_space<vmem>>) semaphore(%arg11 : memref<!tpu.dma_semaphore, #tpu.memory_space<semaphore_mem>>)
    %dma_start3A_18 = arith.constant 128 : i32
    %dma_start3A_19 = arith.constant 0 : i32
    %dma_start3A_20 = tpu.memref_slice %arg9[%dma_start3A_18, %dma_start3A_19] : memref<512x64xf32, #tpu.memory_space<vmem>> -> memref<128x64xf32, #tpu.memory_space<vmem>>
    %dma_start3A_21 = arith.constant 128 : i32
    %dma_start3A_22 = tpu.memref_slice %arg7[%dma_start3A_21] : memref<512xi32, #tpu.memory_space<vmem>> -> memref<128xi32, #tpu.memory_space<vmem>>
    %dma_start3A_23 = arith.constant 0 : i32
    %dma_start3A_24 = arith.constant 0 : i32
    %dma_start3A_25 = tpu.memref_slice %arg4[%dma_start3A_23, %dma_start3A_24] : memref<29502x64xf32, #tpu.memory_space<hbm>> -> memref<29502x64xf32, #tpu.memory_space<hbm>>
    tpu.enqueue_indirect_dma source(%dma_start3A_25 : memref<29502x64xf32, #tpu.memory_space<hbm>>) target(%dma_start3A_20 : memref<128x64xf32, #tpu.memory_space<vmem>>) offsets(%dma_start3A_22 : memref<128xi32, #tpu.memory_space<vmem>>) semaphore(%arg11 : memref<!tpu.dma_semaphore, #tpu.memory_space<semaphore_mem>>)
    %dma_start3A_26 = arith.constant 128 : i32
    %dma_start3A_27 = arith.constant 0 : i32
    %dma_start3A_28 = tpu.memref_slice %arg10[%dma_start3A_26, %dma_start3A_27] : memref<512x16xf32, #tpu.memory_space<vmem>> -> memref<128x16xf32, #tpu.memory_space<vmem>>
    %dma_start3A_29 = arith.constant 128 : i32
    %dma_start3A_30 = tpu.memref_slice %arg8[%dma_start3A_29] : memref<512xi32, #tpu.memory_space<vmem>> -> memref<128xi32, #tpu.memory_space<vmem>>
    %dma_start3A_31 = arith.constant 0 : i32
    %dma_start3A_32 = arith.constant 0 : i32
    %dma_start3A_33 = tpu.memref_slice %arg5[%dma_start3A_31, %dma_start3A_32] : memref<1859x16xf32, #tpu.memory_space<hbm>> -> memref<1859x16xf32, #tpu.memory_space<hbm>>
    tpu.enqueue_indirect_dma source(%dma_start3A_33 : memref<1859x16xf32, #tpu.memory_space<hbm>>) target(%dma_start3A_28 : memref<128x16xf32, #tpu.memory_space<vmem>>) offsets(%dma_start3A_30 : memref<128xi32, #tpu.memory_space<vmem>>) semaphore(%arg11 : memref<!tpu.dma_semaphore, #tpu.memory_space<semaphore_mem>>)
    %dma_start3A_34 = arith.constant 256 : i32
    %dma_start3A_35 = arith.constant 0 : i32
    %dma_start3A_36 = tpu.memref_slice %arg9[%dma_start3A_34, %dma_start3A_35] : memref<512x64xf32, #tpu.memory_space<vmem>> -> memref<128x64xf32, #tpu.memory_space<vmem>>
    %dma_start3A_37 = arith.constant 256 : i32
    %dma_start3A_38 = tpu.memref_slice %arg7[%dma_start3A_37] : memref<512xi32, #tpu.memory_space<vmem>> -> memref<128xi32, #tpu.memory_space<vmem>>
    %dma_start3A_39 = arith.constant 0 : i32
    %dma_start3A_40 = arith.constant 0 : i32
    %dma_start3A_41 = tpu.memref_slice %arg4[%dma_start3A_39, %dma_start3A_40] : memref<29502x64xf32, #tpu.memory_space<hbm>> -> memref<29502x64xf32, #tpu.memory_space<hbm>>
    tpu.enqueue_indirect_dma source(%dma_start3A_41 : memref<29502x64xf32, #tpu.memory_space<hbm>>) target(%dma_start3A_36 : memref<128x64xf32, #tpu.memory_space<vmem>>) offsets(%dma_start3A_38 : memref<128xi32, #tpu.memory_space<vmem>>) semaphore(%arg11 : memref<!tpu.dma_semaphore, #tpu.memory_space<semaphore_mem>>)
    %dma_start3A_42 = arith.constant 256 : i32
    %dma_start3A_43 = arith.constant 0 : i32
    %dma_start3A_44 = tpu.memref_slice %arg10[%dma_start3A_42, %dma_start3A_43] : memref<512x16xf32, #tpu.memory_space<vmem>> -> memref<128x16xf32, #tpu.memory_space<vmem>>
    %dma_start3A_45 = arith.constant 256 : i32
    %dma_start3A_46 = tpu.memref_slice %arg8[%dma_start3A_45] : memref<512xi32, #tpu.memory_space<vmem>> -> memref<128xi32, #tpu.memory_space<vmem>>
    %dma_start3A_47 = arith.constant 0 : i32
    %dma_start3A_48 = arith.constant 0 : i32
    %dma_start3A_49 = tpu.memref_slice %arg5[%dma_start3A_47, %dma_start3A_48] : memref<1859x16xf32, #tpu.memory_space<hbm>> -> memref<1859x16xf32, #tpu.memory_space<hbm>>
    tpu.enqueue_indirect_dma source(%dma_start3A_49 : memref<1859x16xf32, #tpu.memory_space<hbm>>) target(%dma_start3A_44 : memref<128x16xf32, #tpu.memory_space<vmem>>) offsets(%dma_start3A_46 : memref<128xi32, #tpu.memory_space<vmem>>) semaphore(%arg11 : memref<!tpu.dma_semaphore, #tpu.memory_space<semaphore_mem>>)
    %dma_start3A_50 = arith.constant 384 : i32
    %dma_start3A_51 = arith.constant 0 : i32
    %dma_start3A_52 = tpu.memref_slice %arg9[%dma_start3A_50, %dma_start3A_51] : memref<512x64xf32, #tpu.memory_space<vmem>> -> memref<128x64xf32, #tpu.memory_space<vmem>>
    %dma_start3A_53 = arith.constant 384 : i32
    %dma_start3A_54 = tpu.memref_slice %arg7[%dma_start3A_53] : memref<512xi32, #tpu.memory_space<vmem>> -> memref<128xi32, #tpu.memory_space<vmem>>
    %dma_start3A_55 = arith.constant 0 : i32
    %dma_start3A_56 = arith.constant 0 : i32
    %dma_start3A_57 = tpu.memref_slice %arg4[%dma_start3A_55, %dma_start3A_56] : memref<29502x64xf32, #tpu.memory_space<hbm>> -> memref<29502x64xf32, #tpu.memory_space<hbm>>
    tpu.enqueue_indirect_dma source(%dma_start3A_57 : memref<29502x64xf32, #tpu.memory_space<hbm>>) target(%dma_start3A_52 : memref<128x64xf32, #tpu.memory_space<vmem>>) offsets(%dma_start3A_54 : memref<128xi32, #tpu.memory_space<vmem>>) semaphore(%arg11 : memref<!tpu.dma_semaphore, #tpu.memory_space<semaphore_mem>>)
    %dma_start3A_58 = arith.constant 384 : i32
    %dma_start3A_59 = arith.constant 0 : i32
    %dma_start3A_60 = tpu.memref_slice %arg10[%dma_start3A_58, %dma_start3A_59] : memref<512x16xf32, #tpu.memory_space<vmem>> -> memref<128x16xf32, #tpu.memory_space<vmem>>
    %dma_start3A_61 = arith.constant 384 : i32
    %dma_start3A_62 = tpu.memref_slice %arg8[%dma_start3A_61] : memref<512xi32, #tpu.memory_space<vmem>> -> memref<128xi32, #tpu.memory_space<vmem>>
    %dma_start3A_63 = arith.constant 0 : i32
    %dma_start3A_64 = arith.constant 0 : i32
    %dma_start3A_65 = tpu.memref_slice %arg5[%dma_start3A_63, %dma_start3A_64] : memref<1859x16xf32, #tpu.memory_space<hbm>> -> memref<1859x16xf32, #tpu.memory_space<hbm>>
    tpu.enqueue_indirect_dma source(%dma_start3A_65 : memref<1859x16xf32, #tpu.memory_space<hbm>>) target(%dma_start3A_60 : memref<128x16xf32, #tpu.memory_space<vmem>>) offsets(%dma_start3A_62 : memref<128xi32, #tpu.memory_space<vmem>>) semaphore(%arg11 : memref<!tpu.dma_semaphore, #tpu.memory_space<semaphore_mem>>)
    %dma_wait3A = arith.constant 0 : i32
    %dma_wait3A_66 = arith.constant 0 : i32
    %dma_wait3A_67 = tpu.memref_slice %arg9[%dma_wait3A, %dma_wait3A_66] : memref<512x64xf32, #tpu.memory_space<vmem>> -> memref<128x64xf32, #tpu.memory_space<vmem>>
    %dma_wait3A_68 = arith.constant 0 : i32
    %dma_wait3A_69 = tpu.memref_slice %arg7[%dma_wait3A_68] : memref<512xi32, #tpu.memory_space<vmem>> -> memref<128xi32, #tpu.memory_space<vmem>>
    %dma_wait3A_70 = arith.constant 0 : i32
    %dma_wait3A_71 = arith.constant 0 : i32
    %dma_wait3A_72 = tpu.memref_slice %arg4[%dma_wait3A_70, %dma_wait3A_71] : memref<29502x64xf32, #tpu.memory_space<hbm>> -> memref<29502x64xf32, #tpu.memory_space<hbm>>
    tpu.wait_indirect_dma semaphore(%arg11 : memref<!tpu.dma_semaphore, #tpu.memory_space<semaphore_mem>>) src(%dma_wait3A_72 : memref<29502x64xf32, #tpu.memory_space<hbm>>) dst(%dma_wait3A_67 : memref<128x64xf32, #tpu.memory_space<vmem>>)
    %dma_wait3A_73 = arith.constant 0 : i32
    %dma_wait3A_74 = arith.constant 0 : i32
    %dma_wait3A_75 = tpu.memref_slice %arg10[%dma_wait3A_73, %dma_wait3A_74] : memref<512x16xf32, #tpu.memory_space<vmem>> -> memref<128x16xf32, #tpu.memory_space<vmem>>
    %dma_wait3A_76 = arith.constant 0 : i32
    %dma_wait3A_77 = tpu.memref_slice %arg8[%dma_wait3A_76] : memref<512xi32, #tpu.memory_space<vmem>> -> memref<128xi32, #tpu.memory_space<vmem>>
    %dma_wait3A_78 = arith.constant 0 : i32
    %dma_wait3A_79 = arith.constant 0 : i32
    %dma_wait3A_80 = tpu.memref_slice %arg5[%dma_wait3A_78, %dma_wait3A_79] : memref<1859x16xf32, #tpu.memory_space<hbm>> -> memref<1859x16xf32, #tpu.memory_space<hbm>>
    tpu.wait_indirect_dma semaphore(%arg11 : memref<!tpu.dma_semaphore, #tpu.memory_space<semaphore_mem>>) src(%dma_wait3A_80 : memref<1859x16xf32, #tpu.memory_space<hbm>>) dst(%dma_wait3A_75 : memref<128x16xf32, #tpu.memory_space<vmem>>)
    %dma_wait3A_81 = arith.constant 128 : i32
    %dma_wait3A_82 = arith.constant 0 : i32
    %dma_wait3A_83 = tpu.memref_slice %arg9[%dma_wait3A_81, %dma_wait3A_82] : memref<512x64xf32, #tpu.memory_space<vmem>> -> memref<128x64xf32, #tpu.memory_space<vmem>>
    %dma_wait3A_84 = arith.constant 128 : i32
    %dma_wait3A_85 = tpu.memref_slice %arg7[%dma_wait3A_84] : memref<512xi32, #tpu.memory_space<vmem>> -> memref<128xi32, #tpu.memory_space<vmem>>
    %dma_wait3A_86 = arith.constant 0 : i32
    %dma_wait3A_87 = arith.constant 0 : i32
    %dma_wait3A_88 = tpu.memref_slice %arg4[%dma_wait3A_86, %dma_wait3A_87] : memref<29502x64xf32, #tpu.memory_space<hbm>> -> memref<29502x64xf32, #tpu.memory_space<hbm>>
    tpu.wait_indirect_dma semaphore(%arg11 : memref<!tpu.dma_semaphore, #tpu.memory_space<semaphore_mem>>) src(%dma_wait3A_88 : memref<29502x64xf32, #tpu.memory_space<hbm>>) dst(%dma_wait3A_83 : memref<128x64xf32, #tpu.memory_space<vmem>>)
    %dma_wait3A_89 = arith.constant 128 : i32
    %dma_wait3A_90 = arith.constant 0 : i32
    %dma_wait3A_91 = tpu.memref_slice %arg10[%dma_wait3A_89, %dma_wait3A_90] : memref<512x16xf32, #tpu.memory_space<vmem>> -> memref<128x16xf32, #tpu.memory_space<vmem>>
    %dma_wait3A_92 = arith.constant 128 : i32
    %dma_wait3A_93 = tpu.memref_slice %arg8[%dma_wait3A_92] : memref<512xi32, #tpu.memory_space<vmem>> -> memref<128xi32, #tpu.memory_space<vmem>>
    %dma_wait3A_94 = arith.constant 0 : i32
    %dma_wait3A_95 = arith.constant 0 : i32
    %dma_wait3A_96 = tpu.memref_slice %arg5[%dma_wait3A_94, %dma_wait3A_95] : memref<1859x16xf32, #tpu.memory_space<hbm>> -> memref<1859x16xf32, #tpu.memory_space<hbm>>
    tpu.wait_indirect_dma semaphore(%arg11 : memref<!tpu.dma_semaphore, #tpu.memory_space<semaphore_mem>>) src(%dma_wait3A_96 : memref<1859x16xf32, #tpu.memory_space<hbm>>) dst(%dma_wait3A_91 : memref<128x16xf32, #tpu.memory_space<vmem>>)
    %dma_wait3A_97 = arith.constant 256 : i32
    %dma_wait3A_98 = arith.constant 0 : i32
    %dma_wait3A_99 = tpu.memref_slice %arg9[%dma_wait3A_97, %dma_wait3A_98] : memref<512x64xf32, #tpu.memory_space<vmem>> -> memref<128x64xf32, #tpu.memory_space<vmem>>
    %dma_wait3A_100 = arith.constant 256 : i32
    %dma_wait3A_101 = tpu.memref_slice %arg7[%dma_wait3A_100] : memref<512xi32, #tpu.memory_space<vmem>> -> memref<128xi32, #tpu.memory_space<vmem>>
    %dma_wait3A_102 = arith.constant 0 : i32
    %dma_wait3A_103 = arith.constant 0 : i32
    %dma_wait3A_104 = tpu.memref_slice %arg4[%dma_wait3A_102, %dma_wait3A_103] : memref<29502x64xf32, #tpu.memory_space<hbm>> -> memref<29502x64xf32, #tpu.memory_space<hbm>>
    tpu.wait_indirect_dma semaphore(%arg11 : memref<!tpu.dma_semaphore, #tpu.memory_space<semaphore_mem>>) src(%dma_wait3A_104 : memref<29502x64xf32, #tpu.memory_space<hbm>>) dst(%dma_wait3A_99 : memref<128x64xf32, #tpu.memory_space<vmem>>)
    %dma_wait3A_105 = arith.constant 256 : i32
    %dma_wait3A_106 = arith.constant 0 : i32
    %dma_wait3A_107 = tpu.memref_slice %arg10[%dma_wait3A_105, %dma_wait3A_106] : memref<512x16xf32, #tpu.memory_space<vmem>> -> memref<128x16xf32, #tpu.memory_space<vmem>>
    %dma_wait3A_108 = arith.constant 256 : i32
    %dma_wait3A_109 = tpu.memref_slice %arg8[%dma_wait3A_108] : memref<512xi32, #tpu.memory_space<vmem>> -> memref<128xi32, #tpu.memory_space<vmem>>
    %dma_wait3A_110 = arith.constant 0 : i32
    %dma_wait3A_111 = arith.constant 0 : i32
    %dma_wait3A_112 = tpu.memref_slice %arg5[%dma_wait3A_110, %dma_wait3A_111] : memref<1859x16xf32, #tpu.memory_space<hbm>> -> memref<1859x16xf32, #tpu.memory_space<hbm>>
    tpu.wait_indirect_dma semaphore(%arg11 : memref<!tpu.dma_semaphore, #tpu.memory_space<semaphore_mem>>) src(%dma_wait3A_112 : memref<1859x16xf32, #tpu.memory_space<hbm>>) dst(%dma_wait3A_107 : memref<128x16xf32, #tpu.memory_space<vmem>>)
    %dma_wait3A_113 = arith.constant 384 : i32
    %dma_wait3A_114 = arith.constant 0 : i32
    %dma_wait3A_115 = tpu.memref_slice %arg9[%dma_wait3A_113, %dma_wait3A_114] : memref<512x64xf32, #tpu.memory_space<vmem>> -> memref<128x64xf32, #tpu.memory_space<vmem>>
    %dma_wait3A_116 = arith.constant 384 : i32
    %dma_wait3A_117 = tpu.memref_slice %arg7[%dma_wait3A_116] : memref<512xi32, #tpu.memory_space<vmem>> -> memref<128xi32, #tpu.memory_space<vmem>>
    %dma_wait3A_118 = arith.constant 0 : i32
    %dma_wait3A_119 = arith.constant 0 : i32
    %dma_wait3A_120 = tpu.memref_slice %arg4[%dma_wait3A_118, %dma_wait3A_119] : memref<29502x64xf32, #tpu.memory_space<hbm>> -> memref<29502x64xf32, #tpu.memory_space<hbm>>
    tpu.wait_indirect_dma semaphore(%arg11 : memref<!tpu.dma_semaphore, #tpu.memory_space<semaphore_mem>>) src(%dma_wait3A_120 : memref<29502x64xf32, #tpu.memory_space<hbm>>) dst(%dma_wait3A_115 : memref<128x64xf32, #tpu.memory_space<vmem>>)
    %dma_wait3A_121 = arith.constant 384 : i32
    %dma_wait3A_122 = arith.constant 0 : i32
    %dma_wait3A_123 = tpu.memref_slice %arg10[%dma_wait3A_121, %dma_wait3A_122] : memref<512x16xf32, #tpu.memory_space<vmem>> -> memref<128x16xf32, #tpu.memory_space<vmem>>
    %dma_wait3A_124 = arith.constant 384 : i32
    %dma_wait3A_125 = tpu.memref_slice %arg8[%dma_wait3A_124] : memref<512xi32, #tpu.memory_space<vmem>> -> memref<128xi32, #tpu.memory_space<vmem>>
    %dma_wait3A_126 = arith.constant 0 : i32
    %dma_wait3A_127 = arith.constant 0 : i32
    %dma_wait3A_128 = tpu.memref_slice %arg5[%dma_wait3A_126, %dma_wait3A_127] : memref<1859x16xf32, #tpu.memory_space<hbm>> -> memref<1859x16xf32, #tpu.memory_space<hbm>>
    tpu.wait_indirect_dma semaphore(%arg11 : memref<!tpu.dma_semaphore, #tpu.memory_space<semaphore_mem>>) src(%dma_wait3A_128 : memref<1859x16xf32, #tpu.memory_space<hbm>>) dst(%dma_wait3A_123 : memref<128x16xf32, #tpu.memory_space<vmem>>)
    "tpu.region"() ({
      %run_scoped3A = tpu.sem_alloc : memref<!tpu.dma_semaphore, #tpu.memory_space<semaphore_mem>>
      %dma_start3A_129 = arith.constant 0 : i32
      %dma_start3A_130 = tpu.memref_slice %arg6[%mul3A_2, %dma_start3A_129] : memref<16384x128xf32, #tpu.memory_space<hbm>> -> memref<512x64xf32, #tpu.memory_space<hbm>>
      %dma_start3A_131 = arith.constant 0 : i32
      %dma_start3A_132 = tpu.memref_slice %arg6[%mul3A_2, %dma_start3A_131] : memref<16384x128xf32, #tpu.memory_space<hbm>> -> memref<512x64xf32, #tpu.memory_space<hbm>>
      tpu.enqueue_dma source(%arg9 : memref<512x64xf32, #tpu.memory_space<vmem>>) target(%dma_start3A_132 : memref<512x64xf32, #tpu.memory_space<hbm>>) target_semaphore(%run_scoped3A : memref<!tpu.dma_semaphore, #tpu.memory_space<semaphore_mem>>)
      %dma_wait3A_133 = arith.constant 0 : i32
      %dma_wait3A_134 = tpu.memref_slice %arg6[%mul3A_2, %dma_wait3A_133] : memref<16384x128xf32, #tpu.memory_space<hbm>> -> memref<512x64xf32, #tpu.memory_space<hbm>>
      %dma_wait3A_135 = arith.constant 0 : i32
      %dma_wait3A_136 = tpu.memref_slice %arg6[%mul3A_2, %dma_wait3A_135] : memref<16384x128xf32, #tpu.memory_space<hbm>> -> memref<512x64xf32, #tpu.memory_space<hbm>>
      tpu.wait_dma2 semaphore(%run_scoped3A : memref<!tpu.dma_semaphore, #tpu.memory_space<semaphore_mem>>) src(%arg9 : memref<512x64xf32, #tpu.memory_space<vmem>>) dst(%dma_wait3A_136 : memref<512x64xf32, #tpu.memory_space<hbm>>)
      tpu.yield
    }) : () -> ()
    "tpu.region"() ({
      %run_scoped3A = tpu.sem_alloc : memref<!tpu.dma_semaphore, #tpu.memory_space<semaphore_mem>>
      %dma_start3A_129 = arith.constant 64 : i32
      %dma_start3A_130 = tpu.memref_slice %arg6[%mul3A_2, %dma_start3A_129] : memref<16384x128xf32, #tpu.memory_space<hbm>> -> memref<512x16xf32, #tpu.memory_space<hbm>>
      %dma_start3A_131 = arith.constant 64 : i32
      %dma_start3A_132 = tpu.memref_slice %arg6[%mul3A_2, %dma_start3A_131] : memref<16384x128xf32, #tpu.memory_space<hbm>> -> memref<512x16xf32, #tpu.memory_space<hbm>>
      tpu.enqueue_dma source(%arg10 : memref<512x16xf32, #tpu.memory_space<vmem>>) target(%dma_start3A_132 : memref<512x16xf32, #tpu.memory_space<hbm>>) target_semaphore(%run_scoped3A : memref<!tpu.dma_semaphore, #tpu.memory_space<semaphore_mem>>)
      %dma_wait3A_133 = arith.constant 64 : i32
      %dma_wait3A_134 = tpu.memref_slice %arg6[%mul3A_2, %dma_wait3A_133] : memref<16384x128xf32, #tpu.memory_space<hbm>> -> memref<512x16xf32, #tpu.memory_space<hbm>>
      %dma_wait3A_135 = arith.constant 64 : i32
      %dma_wait3A_136 = tpu.memref_slice %arg6[%mul3A_2, %dma_wait3A_135] : memref<16384x128xf32, #tpu.memory_space<hbm>> -> memref<512x16xf32, #tpu.memory_space<hbm>>
      tpu.wait_dma2 semaphore(%run_scoped3A : memref<!tpu.dma_semaphore, #tpu.memory_space<semaphore_mem>>) src(%arg10 : memref<512x16xf32, #tpu.memory_space<vmem>>) dst(%dma_wait3A_136 : memref<512x16xf32, #tpu.memory_space<hbm>>)
      tpu.yield
    }) : () -> ()
    return
  }
}

module attributes {stable_mosaic.version = 14 : i64} {
  func.func @_main_body(%arg0: i32, %arg1: memref<4096x128xf32, #tpu.memory_space<vmem>>, %arg2: memref<6x4096xf32, #tpu.memory_space<vmem>>, %arg3: memref<112x128xf32, #tpu.memory_space<vmem>>, %arg4: memref<4096x128xf32, #tpu.memory_space<vmem>>) attributes {dimension_semantics = [#tpu.dimension_semantics<arbitrary>], iteration_bounds = array<i64: 4>, scalar_prefetch = 0 : i64, scratch_operands = 0 : i64, tpu.core_type = #tpu.core_type<tc>, window_params = [{transform_indices = @transform_0, window_bounds = array<i64: 4096, 128>}, {transform_indices = @transform_1, window_bounds = array<i64: 6, 4096>}, {pipeline_mode = #tpu.pipeline_mode<synchronous>, transform_indices = @transform_2, window_bounds = array<i64: 112, 128>}, {transform_indices = @transform_3, window_bounds = array<i64: 4096, 128>}]} {
    %get3A = arith.constant 0 : index
    %get3A_0 = arith.constant 0 : index
    %get3A_1 = vector.load %arg1[%get3A, %get3A_0] : memref<4096x128xf32, #tpu.memory_space<vmem>>, vector<4096x80xf32>
    %iota3A = tpu.iota {dimensions = array<i32: 0>} : vector<24x1xi32>
    %get3A_2 = arith.constant 2 : index
    %get3A_3 = arith.constant 0 : index
    %get3A_4 = vector.load %arg2[%get3A_2, %get3A_3] : memref<6x4096xf32, #tpu.memory_space<vmem>>, vector<1x4096xf32>
    %convert_element_type3A = arith.fptosi %get3A_4 : vector<1x4096xf32> to vector<1x4096xi32>
    %eq3A = vector.broadcast %convert_element_type3A : vector<1x4096xi32> to vector<24x4096xi32>
    %eq3A_5 = vector.broadcast %iota3A : vector<24x1xi32> to vector<24x4096xi32>
    %eq3A_6 = arith.cmpi eq, %eq3A, %eq3A_5 : vector<24x4096xi32>
    %convert_element_type3A_7 = arith.extui %eq3A_6 : vector<24x4096xi1> to vector<24x4096xi32>
    %convert_element_type3A_8 = arith.sitofp %convert_element_type3A_7 : vector<24x4096xi32> to vector<24x4096xf32>
    %iota3A_9 = tpu.iota {dimensions = array<i32: 0>} : vector<4x1xi32>
    %get3A_10 = arith.constant 5 : index
    %get3A_11 = arith.constant 0 : index
    %get3A_12 = vector.load %arg2[%get3A_10, %get3A_11] : memref<6x4096xf32, #tpu.memory_space<vmem>>, vector<1x4096xf32>
    %convert_element_type3A_13 = arith.fptosi %get3A_12 : vector<1x4096xf32> to vector<1x4096xi32>
    %eq3A_14 = vector.broadcast %convert_element_type3A_13 : vector<1x4096xi32> to vector<4x4096xi32>
    %eq3A_15 = vector.broadcast %iota3A_9 : vector<4x1xi32> to vector<4x4096xi32>
    %eq3A_16 = arith.cmpi eq, %eq3A_14, %eq3A_15 : vector<4x4096xi32>
    %convert_element_type3A_17 = arith.extui %eq3A_16 : vector<4x4096xi1> to vector<4x4096xi32>
    %convert_element_type3A_18 = arith.sitofp %convert_element_type3A_17 : vector<4x4096xi32> to vector<4x4096xf32>
    %broadcast_in_dim3A = arith.constant 1.000000e+00 : f32
    %broadcast_in_dim3A_19 = vector.broadcast %broadcast_in_dim3A : f32 to vector<1x4096xf32>
    %broadcast_in_dim3A_20 = arith.constant 0.000000e+00 : f32
    %broadcast_in_dim3A_21 = vector.broadcast %broadcast_in_dim3A_20 : f32 to vector<1x4096xf32>
    %get3A_22 = arith.constant 3 : index
    %get3A_23 = arith.constant 0 : index
    %get3A_24 = vector.load %arg2[%get3A_22, %get3A_23] : memref<6x4096xf32, #tpu.memory_space<vmem>>, vector<2x4096xf32>
    %concatenate3A = tpu.concatenate %convert_element_type3A_8, %convert_element_type3A_18, %get3A_24, %broadcast_in_dim3A_19, %broadcast_in_dim3A_21 in 0 : vector<24x4096xf32>, vector<4x4096xf32>, vector<2x4096xf32>, vector<1x4096xf32>, vector<1x4096xf32> -> vector<32x4096xf32>
    %get3A_25 = arith.constant 0 : index
    %get3A_26 = arith.constant 0 : index
    %get3A_27 = vector.load %arg3[%get3A_25, %get3A_26] : memref<112x128xf32, #tpu.memory_space<vmem>>, vector<112x128xf32>
    %slice3A = vector.extract_strided_slice %get3A_27 {offsets = [0, 0], sizes = [80, 128], strides = [1, 1]} : vector<112x128xf32> to vector<80x128xf32>
    %dot_general3A = arith.constant dense<0.000000e+00> : vector<4096x128xf32>
    %dot_general3A_28 = tpu.matmul %get3A_1, %slice3A, %dot_general3A {dimension_numbers = #tpu.dot_dimension_numbers<[1], [0], [0], [1], [0, 0, 1, 1], [], []>, precision = #tpu.contract_precision<fp32>, transpose_lhs_hint = false} : vector<4096x80xf32>, vector<80x128xf32>, vector<4096x128xf32> -> vector<4096x128xf32>
    %slice3A_29 = vector.extract_strided_slice %get3A_27 {offsets = [80, 0], sizes = [32, 128], strides = [1, 1]} : vector<112x128xf32> to vector<32x128xf32>
    %dot_general3A_30 = arith.constant dense<0.000000e+00> : vector<4096x128xf32>
    %dot_general3A_31 = tpu.matmul %concatenate3A, %slice3A_29, %dot_general3A_30 {dimension_numbers = #tpu.dot_dimension_numbers<[0], [0], [1], [1], [0, 1, 1, 1], [], []>, precision = #tpu.contract_precision<fp32>, transpose_lhs_hint = false} : vector<32x4096xf32>, vector<32x128xf32>, vector<4096x128xf32> -> vector<4096x128xf32>
    %add3A = arith.addf %dot_general3A_28, %dot_general3A_31 : vector<4096x128xf32>
    %swap3A = arith.constant 0 : index
    %swap3A_32 = arith.constant 0 : index
    %swap3A_33 = vector.load %arg4[%swap3A, %swap3A_32] : memref<4096x128xf32, #tpu.memory_space<vmem>>, vector<4096x128xf32>
    tpu.vector_store %arg4[%swap3A, %swap3A_32], %add3A {strides = array<i32>} : memref<4096x128xf32, #tpu.memory_space<vmem>>, vector<4096x128xf32>,
    return
  }
  func.func @transform_0(%arg0: i32) -> (i32, i32) {
    %c0_i32 = arith.constant 0 : i32
    %c0_i32_0 = arith.constant 0 : i32
    return %arg0, %c0_i32 : i32, i32
  }
  func.func @transform_1(%arg0: i32) -> (i32, i32) {
    %c0_i32 = arith.constant 0 : i32
    %c0_i32_0 = arith.constant 0 : i32
    return %c0_i32, %arg0 : i32, i32
  }
  func.func @transform_2(%arg0: i32) -> (i32, i32) {
    %c0_i32 = arith.constant 0 : i32
    %c0_i32_0 = arith.constant 0 : i32
    %c0_i32_1 = arith.constant 0 : i32
    return %c0_i32, %c0_i32_0 : i32, i32
  }
  func.func @transform_3(%arg0: i32) -> (i32, i32) {
    %c0_i32 = arith.constant 0 : i32
    %c0_i32_0 = arith.constant 0 : i32
    return %arg0, %c0_i32 : i32, i32
  }
}

module attributes {stable_mosaic.version = 14 : i64} {
  func.func @_prep_body(%arg0: memref<64x112xf32, #tpu.memory_space<vmem>>, %arg1: memref<128x80xf32, #tpu.memory_space<vmem>>, %arg2: memref<16x1xf32, #tpu.memory_space<vmem>>, %arg3: memref<16x1xf32, #tpu.memory_space<vmem>>, %arg4: memref<8x1xf32, #tpu.memory_space<vmem>>, %arg5: memref<8x1xf32, #tpu.memory_space<vmem>>, %arg6: memref<4x8xf32, #tpu.memory_space<vmem>>, %arg7: memref<64x1xf32, #tpu.memory_space<vmem>>, %arg8: memref<1x128xf32, #tpu.memory_space<vmem>>, %arg9: memref<24x16xf32, #tpu.memory_space<vmem>>, %arg10: memref<112x128xf32, #tpu.memory_space<vmem>>) attributes {dimension_semantics = [], scalar_prefetch = 0 : i64, scratch_operands = 0 : i64, tpu.core_type = #tpu.core_type<tc>} {
    %get3A = arith.constant 0 : index
    %get3A_0 = arith.constant 0 : index
    %get3A_1 = vector.load %arg0[%get3A, %get3A_0] : memref<64x112xf32, #tpu.memory_space<vmem>>, vector<64x112xf32>
    %get3A_2 = arith.constant 0 : index
    %get3A_3 = arith.constant 0 : index
    %get3A_4 = vector.load %arg1[%get3A_2, %get3A_3] : memref<128x80xf32, #tpu.memory_space<vmem>>, vector<128x80xf32>
    %slice3A = vector.extract_strided_slice %get3A_4 {offsets = [0, 0], sizes = [128, 64], strides = [1, 1]} : vector<128x80xf32> to vector<128x64xf32>
    %slice3A_5 = vector.extract_strided_slice %get3A_4 {offsets = [0, 64], sizes = [128, 8], strides = [1, 1]} : vector<128x80xf32> to vector<128x8xf32>
    %slice3A_6 = vector.extract_strided_slice %get3A_4 {offsets = [0, 72], sizes = [128, 8], strides = [1, 1]} : vector<128x80xf32> to vector<128x8xf32>
    %slice3A_7 = vector.extract_strided_slice %get3A_1 {offsets = [0, 0], sizes = [64, 80], strides = [1, 1]} : vector<64x112xf32> to vector<64x80xf32>
    %slice3A_8 = vector.extract_strided_slice %get3A_1 {offsets = [0, 80], sizes = [64, 16], strides = [1, 1]} : vector<64x112xf32> to vector<64x16xf32>
    %slice3A_9 = vector.extract_strided_slice %get3A_1 {offsets = [0, 96], sizes = [64, 16], strides = [1, 1]} : vector<64x112xf32> to vector<64x16xf32>
    %dot_general3A = arith.constant dense<0.000000e+00> : vector<80x128xf32>
    %dot_general3A_10 = tpu.matmul %slice3A_7, %slice3A, %dot_general3A {dimension_numbers = #tpu.dot_dimension_numbers<[0], [1], [1], [0], [0, 1, 1, 0], [], []>, precision = #tpu.contract_precision<fp32>, transpose_lhs_hint = false} : vector<64x80xf32>, vector<128x64xf32>, vector<80x128xf32> -> vector<80x128xf32>
    %dot_general3A_11 = arith.constant dense<0.000000e+00> : vector<128x16xf32>
    %dot_general3A_12 = tpu.matmul %slice3A, %slice3A_8, %dot_general3A_11 {dimension_numbers = #tpu.dot_dimension_numbers<[1], [0], [0], [1], [0, 0, 1, 1], [], []>, precision = #tpu.contract_precision<fp32>, transpose_lhs_hint = false} : vector<128x64xf32>, vector<64x16xf32>, vector<128x16xf32> -> vector<128x16xf32>
    %get3A_13 = arith.constant 0 : index
    %get3A_14 = arith.constant 0 : index
    %get3A_15 = vector.load %arg9[%get3A_13, %get3A_14] : memref<24x16xf32, #tpu.memory_space<vmem>>, vector<24x16xf32>
    %dot_general3A_16 = arith.constant dense<0.000000e+00> : vector<24x128xf32>
    %dot_general3A_17 = tpu.matmul %get3A_15, %dot_general3A_12, %dot_general3A_16 {dimension_numbers = #tpu.dot_dimension_numbers<[1], [1], [0], [0], [0, 0, 1, 0], [], []>, precision = #tpu.contract_precision<fp32>, transpose_lhs_hint = false} : vector<24x16xf32>, vector<128x16xf32>, vector<24x128xf32> -> vector<24x128xf32>
    %iota3A = tpu.iota {dimensions = array<i32: 0>} : vector<4x8xi32>
    %eq3A = arith.constant 0 : i32
    %eq3A_18 = vector.broadcast %eq3A : i32 to vector<4x8xi32>
    %eq3A_19 = arith.cmpi eq, %iota3A, %eq3A_18 : vector<4x8xi32>
    %get3A_20 = arith.constant 0 : index
    %get3A_21 = arith.constant 0 : index
    %get3A_22 = vector.load %arg6[%get3A_20, %get3A_21] : memref<4x8xf32, #tpu.memory_space<vmem>>, vector<4x8xf32>
    %jit3A = arith.constant 0.000000e+00 : f32
    %broadcast_in_dim3A = vector.broadcast %jit3A : f32 to vector<4x8xf32>
    %select_n3A = arith.select %eq3A_19, %broadcast_in_dim3A, %get3A_22 : vector<4x8xi1>, vector<4x8xf32>
    %dot_general3A_23 = arith.constant dense<0.000000e+00> : vector<4x128xf32>
    %dot_general3A_24 = tpu.matmul %select_n3A, %slice3A_5, %dot_general3A_23 {dimension_numbers = #tpu.dot_dimension_numbers<[1], [1], [0], [0], [0, 0, 1, 0], [], []>, precision = #tpu.contract_precision<fp32>, transpose_lhs_hint = false} : vector<4x8xf32>, vector<128x8xf32>, vector<4x128xf32> -> vector<4x128xf32>
    %get3A_25 = arith.constant 0 : index
    %get3A_26 = arith.constant 0 : index
    %get3A_27 = vector.load %arg2[%get3A_25, %get3A_26] : memref<16x1xf32, #tpu.memory_space<vmem>>, vector<16x1xf32>
    %dot_general3A_28 = arith.constant dense<0.000000e+00> : vector<64x1xf32>
    %dot_general3A_29 = tpu.matmul %slice3A_9, %get3A_27, %dot_general3A_28 {dimension_numbers = #tpu.dot_dimension_numbers<[1], [0], [0], [1], [0, 0, 1, 1], [], []>, precision = #tpu.contract_precision<fp32>, transpose_lhs_hint = false} : vector<64x16xf32>, vector<16x1xf32>, vector<64x1xf32> -> vector<64x1xf32>
    %dot_general3A_30 = arith.constant dense<0.000000e+00> : vector<1x128xf32>
    %dot_general3A_31 = tpu.matmul %dot_general3A_29, %slice3A, %dot_general3A_30 {dimension_numbers = #tpu.dot_dimension_numbers<[0], [1], [1], [0], [0, 1, 1, 0], [], []>, precision = #tpu.contract_precision<fp32>, transpose_lhs_hint = false} : vector<64x1xf32>, vector<128x64xf32>, vector<1x128xf32> -> vector<1x128xf32>
    %get3A_32 = arith.constant 0 : index
    %get3A_33 = arith.constant 0 : index
    %get3A_34 = vector.load %arg4[%get3A_32, %get3A_33] : memref<8x1xf32, #tpu.memory_space<vmem>>, vector<8x1xf32>
    %dot_general3A_35 = arith.constant dense<0.000000e+00> : vector<1x128xf32>
    %dot_general3A_36 = tpu.matmul %get3A_34, %slice3A_6, %dot_general3A_35 {dimension_numbers = #tpu.dot_dimension_numbers<[0], [1], [1], [0], [0, 1, 1, 0], [], []>, precision = #tpu.contract_precision<fp32>, transpose_lhs_hint = false} : vector<8x1xf32>, vector<128x8xf32>, vector<1x128xf32> -> vector<1x128xf32>
    %get3A_37 = arith.constant 0 : index
    %get3A_38 = arith.constant 0 : index
    %get3A_39 = vector.load %arg7[%get3A_37, %get3A_38] : memref<64x1xf32, #tpu.memory_space<vmem>>, vector<64x1xf32>
    %get3A_40 = arith.constant 0 : index
    %get3A_41 = arith.constant 0 : index
    %get3A_42 = vector.load %arg3[%get3A_40, %get3A_41] : memref<16x1xf32, #tpu.memory_space<vmem>>, vector<16x1xf32>
    %dot_general3A_43 = arith.constant dense<0.000000e+00> : vector<64x1xf32>
    %dot_general3A_44 = tpu.matmul %slice3A_9, %get3A_42, %dot_general3A_43 {dimension_numbers = #tpu.dot_dimension_numbers<[1], [0], [0], [1], [0, 0, 1, 1], [], []>, precision = #tpu.contract_precision<fp32>, transpose_lhs_hint = false} : vector<64x16xf32>, vector<16x1xf32>, vector<64x1xf32> -> vector<64x1xf32>
    %add3A = arith.addf %get3A_39, %dot_general3A_44 : vector<64x1xf32>
    %dot_general3A_45 = arith.constant dense<0.000000e+00> : vector<1x128xf32>
    %dot_general3A_46 = tpu.matmul %add3A, %slice3A, %dot_general3A_45 {dimension_numbers = #tpu.dot_dimension_numbers<[0], [1], [1], [0], [0, 1, 1, 0], [], []>, precision = #tpu.contract_precision<fp32>, transpose_lhs_hint = false} : vector<64x1xf32>, vector<128x64xf32>, vector<1x128xf32> -> vector<1x128xf32>
    %get3A_47 = arith.constant 0 : index
    %get3A_48 = arith.constant 0 : index
    %get3A_49 = vector.load %arg5[%get3A_47, %get3A_48] : memref<8x1xf32, #tpu.memory_space<vmem>>, vector<8x1xf32>
    %dot_general3A_50 = arith.constant dense<0.000000e+00> : vector<1x128xf32>
    %dot_general3A_51 = tpu.matmul %get3A_49, %slice3A_6, %dot_general3A_50 {dimension_numbers = #tpu.dot_dimension_numbers<[0], [1], [1], [0], [0, 1, 1, 0], [], []>, precision = #tpu.contract_precision<fp32>, transpose_lhs_hint = false} : vector<8x1xf32>, vector<128x8xf32>, vector<1x128xf32> -> vector<1x128xf32>
    %add3A_52 = arith.addf %dot_general3A_46, %dot_general3A_51 : vector<1x128xf32>
    %get3A_53 = arith.constant 0 : index
    %get3A_54 = arith.constant 0 : index
    %get3A_55 = vector.load %arg8[%get3A_53, %get3A_54] : memref<1x128xf32, #tpu.memory_space<vmem>>, vector<1x128xf32>
    %add3A_56 = arith.addf %add3A_52, %get3A_55 : vector<1x128xf32>
    %broadcast_in_dim3A_57 = arith.constant 0.000000e+00 : f32
    %broadcast_in_dim3A_58 = vector.broadcast %broadcast_in_dim3A_57 : f32 to vector<1x128xf32>
    %concatenate3A = tpu.concatenate %dot_general3A_10, %dot_general3A_17, %dot_general3A_24, %dot_general3A_31, %dot_general3A_36, %add3A_56, %broadcast_in_dim3A_58 in 0 : vector<80x128xf32>, vector<24x128xf32>, vector<4x128xf32>, vector<1x128xf32>, vector<1x128xf32>, vector<1x128xf32>, vector<1x128xf32> -> vector<112x128xf32>
    %swap3A = arith.constant 0 : index
    %swap3A_59 = arith.constant 0 : index
    %swap3A_60 = vector.load %arg10[%swap3A, %swap3A_59] : memref<112x128xf32, #tpu.memory_space<vmem>>, vector<112x128xf32>
    tpu.vector_store %arg10[%swap3A, %swap3A_59], %concatenate3A {strides = array<i32>} : memref<112x128xf32, #tpu.memory_space<vmem>>, vector<112x128xf32>,
    return
  }
}

</mosaic_0001>

<sc_bundles>
// kernel: kernel.5.cloned.1.call-start
scs
__scs_entry_jumppad:
0x0: {  	(pc) =	sbr.rel $0x88, $3  }
0x1: {  	(tag) =	ssettag $0x0;
	lr =	simm.s32 $0x1  }
0x2: {  	[smem:$0x3F94] =	sst lr;
	_ =	strace $0xD0000000  }
0x3: {  	_ = 	snop  }
0x4: {  	_ = 	snop  }
0x5: {  	_ = 	snop  }
0x6: {  	_ = 	snop  }
0x7: {  	_ = 	snop  }
__scs_overlays_trampoline_lowered:
0x8: {  	[smem:$0x3FA3] =	sst s0  }
0x9: {  	[smem:$0x3FA4] =	sst s1  }
0xa: {  	[smem:$0x3FA5] =	sst s2  }
0xb: {  	[smem:$0x3FA6] =	sst s3  }
0xc: {  	[smem:$0x3FA7] =	sst s4  }
0xd: {  	[smem:$0x3FA8] =	sst s5  }
0xe: {  	[smem:$0x3FA9] =	sst s6  }
0xf: {  	[smem:$0x3FAA] =	sst s7  }
0x10: {  	[smem:$0x3FAB] =	sst s8  }
0x11: {  	[smem:$0x3FAC] =	sst s9;
	s0 =	simm.s32 @!p0 $0x0  }
0x12: {  	s1 =	sld [smem:$0x3F92];
	s0 =	simm.s32 @p0 $0x1  }
0x13: {  	[smem:$0x3FAD] =	sst s0;
	s0 =	simm.s32 @!p1 $0x0  }
0x14: {  	s2 =	sld [smem:$0x3F91];
	s0 =	simm.s32 @p1 $0x1  }
0x15: {  	[smem:$0x3FAE] =	sst s0;
	s0 =	simm.s32 @!p2 $0x0  }
0x16: {  	s3 =	sld [smem:$0x3FDB];
	s0 =	simm.s32 @p2 $0x1  }
0x17: {  	s4 =	simm.s32 $0x1BF5;
	[smem:$0x3FB0] =	sst s0  }
0x18: {  	s0 =	sld [smem:$0x3F93];
	_ =	swait.ge [sflag:s4], $0x0  }
0x19: {  	s7 =	sld [smem:$0x3F94]  }
0x1a: {  	s8 =	sadd.s32 $0xFFFFE003, lr  }
0x1b: {  	s9 =	sadd.s32 $0xFFFFFEF7, lr;
	s5 =	simm.s32 $0xFFFFFFFF;
	p2 =	slt.u32 s8, $0xFFFFF086  }
0x1c: {  	p1 =	slt.u32 s9, $0xF7A;
	s5 =	simm.s32 @!p2 $0x0  }
0x1d: {  	s5 =	simm.s32 @p1 $0x1;
	p0 =	seq.s32 s7, s2  }
0x1e: {  	s7 =	smul.u32 @!p0 $0xF7A, s2;
	p2 =	seq.s32 @!p0 s5, $0x0  }
0x1f: {  	s9 =	smul.u32 $0xF7A, s1;
	s8 =	simm.s32 @!p0 $0x1BF5;
	p2 =	por !p2, p0  }
0x20: {  	[sflag:s8] =	ssyncset.s32 @!p0 $0xFFFFF086;
	s6 =	sadd.s32 @!p0 s3, s7;
	s7 =	simm.s32 @!p0 $0x108  }
0x21: {  	s3 =	sadd.s32 s3, s9;
	s6 =	sadd.s32 @!p0 $0x88, s6;
	s7 =	simm.s32 @p2 $0x1082  }
0x22: {  	[simem:s7], [sflag:s8] =	dma.local @!p0 [hbm:s6], $0xF7A  }
0x23: {  	s9 =	sor.u32 $0xD0000000, s2;
	s6 =	simm.s32 $0x108;
	_ =	swait.ge @!p0 [sflag:s8], $0x0  }
0x24: {  	s3 =	sadd.s32 $0x88, s3;
	s6 =	simm.s32 @!p1 $0x1082;
	[sflag:s4] =	ssyncset.s32 $0xFFFFF086  }
0x25: {  	[simem:s6], [sflag:s4] =	dma.local [hbm:s3], $0xF7A  }
0x26: {  	[smem:$0x3F94] =	sst s1;
	(tag) =	ssettag s2;
	_ =	strace s9  }
0x27: {  	s1 =	sld [smem:$0x3FA4]  }
0x28: {  	s2 =	sld [smem:$0x3FA5]  }
0x29: {  	s4 =	sld [smem:$0x3FA7]  }
0x2a: {  	p0 =	seq.s32 s5, $0x0;
	s5 =	sld [smem:$0x3FA8]  }
0x2b: {  	s6 =	sld [smem:$0x3FA9]  }
0x2c: {  	s7 =	sld [smem:$0x3FAA]  }
0x2d: {  	s3 =	simm.s32 $0x108;
	s8 =	sld [smem:$0x3FAB]  }
0x2e: {  	s3 =	simm.s32 @!p0 $0x1082;
	s9 =	sld [smem:$0x3FAC]  }
0x2f: {  	lr =	sadd.s32 s0, s3;
	s0 =	sld [smem:$0x3FA3]  }
0x30: {  	s3 =	sld [smem:$0x3FA6]  }
0x31: {  	[smem:$0x3FAF] =	sst s10  }
0x32: {  	s10 =	sld [smem:$0x3FAD];
	_ =	sdelay $0x3  }
0x33: {  	p0 =	seq.s32 s10, $0x1;
	s10 =	sld [smem:$0x3FAF];
	_ =	sdelay $0x3  }
0x34: {  	[smem:$0x3FAF] =	sst s10  }
0x35: {  	s10 =	sld [smem:$0x3FAE];
	_ =	sdelay $0x3  }
0x36: {  	p1 =	seq.s32 s10, $0x1;
	s10 =	sld [smem:$0x3FAF];
	_ =	sdelay $0x3  }
0x37: {  	[smem:$0x3FAF] =	sst s10  }
0x38: {  	s10 =	sld [smem:$0x3FB0]  }
0x39: {  	_ = 	snop;
	(pc) =	sbr.ind lr, $3  }
0x3a: {  	_ = 	snop  }
0x3b: {  	_ = 	snop  }
0x3c: {  	p2 =	seq.s32 s10, $0x1;
	s10 =	sld [smem:$0x3FAF]  }
0x3d: {  	_ =	shalt  }
0x3e: {  	_ =	shalt  }
0x3f: {  	_ =	shalt  }
0x40: {  	_ =	shalt  }
0x41: {  	_ =	shalt  }
0x42: {  	_ =	shalt  }
0x43: {  	_ =	shalt  }
0x44: {  	_ =	shalt  }
0x45: {  	_ =	shalt  }
0x46: {  	_ =	shalt  }
0x47: {  	_ =	shalt  }
0x48: {  	_ =	shalt  }
0x49: {  	_ =	shalt  }
0x4a: {  	_ =	shalt  }
0x4b: {  	_ =	shalt  }
0x4c: {  	_ =	shalt  }
0x4d: {  	_ =	shalt  }
0x4e: {  	_ =	shalt  }
0x4f: {  	_ =	shalt  }
0x50: {  	_ =	shalt  }
0x51: {  	_ =	shalt  }
0x52: {  	_ =	shalt  }
0x53: {  	_ =	shalt  }
0x54: {  	_ =	shalt  }
0x55: {  	_ =	shalt  }
0x56: {  	_ =	shalt  }
0x57: {  	_ =	shalt  }
0x58: {  	_ =	shalt  }
0x59: {  	_ =	shalt  }
0x5a: {  	_ =	shalt  }
0x5b: {  	_ =	shalt  }
0x5c: {  	_ =	shalt  }
0x5d: {  	_ =	shalt  }
0x5e: {  	_ =	shalt  }
0x5f: {  	_ =	shalt  }
0x60: {  	_ =	shalt  }
0x61: {  	_ =	shalt  }
0x62: {  	_ =	shalt  }
0x63: {  	_ =	shalt  }
0x64: {  	_ =	shalt  }
0x65: {  	_ =	shalt  }
0x66: {  	_ =	shalt  }
0x67: {  	_ =	shalt  }
0x68: {  	_ =	shalt  }
0x69: {  	_ =	shalt  }
0x6a: {  	_ =	shalt  }
0x6b: {  	_ =	shalt  }
0x6c: {  	_ =	shalt  }
0x6d: {  	_ =	shalt  }
0x6e: {  	_ =	shalt  }
0x6f: {  	_ =	shalt  }
0x70: {  	_ =	shalt  }
0x71: {  	_ =	shalt  }
0x72: {  	_ =	shalt  }
0x73: {  	_ =	shalt  }
0x74: {  	_ =	shalt  }
0x75: {  	_ =	shalt  }
0x76: {  	_ =	shalt  }
0x77: {  	_ =	shalt  }
0x78: {  	_ =	shalt  }
0x79: {  	_ =	shalt  }
0x7a: {  	_ =	shalt  }
0x7b: {  	_ =	shalt  }
0x7c: {  	_ =	shalt  }
0x7d: {  	_ =	shalt  }
0x7e: {  	_ =	shalt  }
0x7f: {  	_ =	shalt  }
0x80: {  	_ =	shalt  }
0x81: {  	_ =	shalt  }
0x82: {  	_ =	shalt  }
0x83: {  	_ =	shalt  }
0x84: {  	_ =	shalt  }
0x85: {  	_ =	shalt  }
0x86: {  	_ =	shalt  }
0x87: {  	_ =	shalt  }
.Lfunc_end0:
.L_simem_size_0:
called_computation_lowered:
.L_overlay_start_0:
0x88: {  	s2 =	sld [smem:$0x3FD9]  }
0x89: {  	s3 =	sld [smem:$0x3FFE];
	_ =	sdelay $0x1  }
0x8a: {  	s1 =	srdreg.scid  }
0x8b: {  	s0 =	sand.u32 $0x1, s1  }
0x8c: {  	s17 =	sshll.u32 s0, $0xA;
	s2 =	sadd.s32 s3, s2  }
0x8d: {  	s2 =	sadd.s32 s2, s17  }
0x8e: {  	[smem:$0x3FBB] =	sst s2  }
0x8f: {  	_ = 	snop  }
0x90: {  	s2 =	sld [smem:$0x3FD0];
	(tm) =	ssettm $0x1  }
0x91: {  	s18 =	sld [smem:$0x3FFB];
	_ =	sdelay $0x3  }
0x92: {  	_ =	strace s18  }
0x93: {  	s3 =	sld [smem:$0x3FFC];
	_ =	sdelay $0x3  }
0x94: {  	_ =	strace s3  }
0x95: {  	s3 =	sld [smem:$0x3FFD];
	_ =	sdelay $0x3  }
0x96: {  	_ =	strace s3  }
0x97: {  	_ =	strace $0x8FFFFFFF  }
0x98: {  	s19 =	sld [smem:$0x3FDB];
	_ =	sdelay $0x1  }
0x99: {  	s4 =	simm.s32 $_scs_section_size  }
0x9a: {  	s5 =	simm.s32 $_size__tile_overlayer_lowered;
	s6 =	simm.s32 $_tile_overlayer_lowered  }
0x9b: {  	s22 =	simm.s32 $0x1BFF;
	s21 =	sshll.u32 s6, $0x1;
	s3 =	sadd.s32 s4, s19  }
0x9c: {  	s7 =	simm.s32 $0x0;
	s20 =	sshll.u32 s5, $0x1;
	s5 =	sadd.s32 s21, s3  }
0x9d: {  	[timem:s7], [sflag:s22] =	dma.local [hbm:s5], s20  }
0x9e: {  	_ =	swait.ge [sflag:s22], s20  }
0x9f: {  	s4 =	ssub.s32 $0x0, s20;
	[sflag:s22] =	ssyncset.done $0x0  }
0xa0: {  	[sflag:s22] =	ssyncadd.s32 s4;
	_ =	sdelay $0x1  }
0xa1: {  	s23 =	simm.s32 $0x1B8B  }
0xa2: {  	_ =	swait.ge [sflag:s23], $0x1  }
0xa3: {  	[sflag:s23] =	ssyncset.done $0x0  }
0xa4: {  	s25 =	simm.s32 $0x1B8E;
	s24 =	sld [smem:$0x3FFE];
	[sflag:s23] =	ssyncadd.s32 $0xFFFFFFFF  }
0xa5: {  	s26 =	simm.s32 $execute0_lowered;
	[smem:$0x3FD2] =	sst s25  }
0xa6: {  	s5 =	sshll.u32 s26, $0x1;
	_ =	strace $0x80000046;
	[dreg:$0x1] =	wrdreg $0xFFFFFFFF  }
0xa7: {  	s28 =	simm.s32 $_size_execute0_lowered;
	s3 =	sadd.s32 s3, s5;
	[dreg:$0x0] =	wrdreg $0x0  }
0xa8: {  	s5 =	sshll.u32 s28, $0x1;
	[dreg:$0x2] =	wrdreg s3  }
0xa9: {  	[dreg:$0x3] =	wrdreg s5  }
0xaa: {  	[dreg:$0x4] =	wrdreg $0xC0  }
0xab: {  	_ =	task [dreg:s7], $0x5FFFF  }
0xac: {  	[dreg:$0x1] =	wrdreg $0xFFFFFFFF  }
0xad: {  	[dreg:$0x0] =	wrdreg $0x60  }
0xae: {  	[dreg:$0x2] =	wrdreg s24  }
0xaf: {  	[dreg:$0x3] =	wrdreg s2  }
0xb0: {  	[dreg:$0x4] =	wrdreg $0x9  }
0xb1: {  	_ =	task.clear_ibuf [dreg:s7], $0x5FFFF;
	_ =	strace $0x90000046  }
0xb2: {  	s29 =	simm.s32 $0x9;
	_ =	strace $0x80000048  }
0xb3: {  	_ =	swait.ge [sflag:s29], $0x1  }
0xb4: {  	[sflag:s29] =	ssyncadd.s32 $0xFFFFFFFF  }
0xb5: {  	_ =	strace $0x90000048  }
0xb6: {  	_ =	sfence  }
0xb7: {  	s30 =	sld [smem:$0x0];
	_ =	sdelay $0x2  }
0xb8: {  	s31 =	sshll.u32 s1, $0xD;
	s1 =	sshrl.u32 s1, $0x2  }
0xb9: {  	s3 =	sand.u32 $0x4000, s31;
	s1 =	sadd.s32 s1, s30  }
0xba: {  	s0 =	sor.u32 s3, s0;
	s1 =	sshll.u32 s1, $0x11  }
0xbb: {  	s0 =	sor.u32 s1, s0  }
0xbc: {  	s0 =	sadd.s32 $0x8F2B, s0  }
0xbd: {  	[sflag:s0] =	ssyncadd.remote.s32 $0x1  }
0xbe: {  	_ =	sfence.sel $0xFFFF  }
0xbf: {  	[dreg:$0x0] =	wrdreg $0xFFFFFFFF;
	(pc) =	sbr.abs _section_cstart, $3  }
0xc0: {  	[dreg:$0x1] =	wrdreg $0xFFFFFFFF  }
0xc1: {  	_ =	task.clear_ibuf [dreg:s7], $0x2FFFF;
	_ =	strace $0x9FFFFFFF  }
0xc2: {  	(tm) =	ssettm $0x7FFFFFFF  }
0xc3: {  	_ =	shalt  }
tec
execute0_lowered:
.L_overlay_start_1:
0x0: {  	(tag) =	ssettag $0x1  }
0x1: {  	s1 =	srdreg.scid  }
0x2: {  	s0 =	stileid.u32;
	s25 =	sand.u32 $0x1, s1  }
0x3: {  	s10 =	rddreg [dreg:$0x0];
	s30 =	sshll.u32 s0, $0xA;
	s2 =	sshll.u32 s25, $0x9  }
0x4: {  	s24 =	rddreg [dreg:$0x1];
	s26 =	sor.u32 s2, s30  }
0x5: {  	s1 =	rddreg [dreg:$0x2];
	s2 =	simm.s32 $0x0;
	s3 =	sshrl.u32 s26, $0x3  }
0x6: {  	[smem:$0x7FF] =	sst s2;
	s5 =	sadd.s32 s3, s10  }
0x7: {  	_ =	strace $0x80000047;
	s3 =	simm.s32 $0x2;
	s4 =	sadd.s32 $0x2800, s5  }
0x8: {  	[tilespmem:s2], [sflag:$0x2] =	stream.linear.gather [hbm4b:s4+s2], $0x200, $0x38;
	[tilespmem:$0xA400] =	vst v63  }
0x9: {  	_ =	swait.ge [sflag:s3], $0x200  }
0xa: {  	[sflag:s3] =	ssyncset.done $0x0  }
0xb: {  	s6 =	simm.s32 $0x200;
	s5 =	sadd.s32 $0x2000, s5;
	[sflag:s3] =	ssyncadd.s32 $0xFFFFFE00  }
0xc: {  	[tilespmem:s6], [sflag:$0x2] =	stream.linear.gather [hbm4b:s5+s2], $0x200, $0x38;
	[tilespmem:$0xA400] =	vst v63  }
0xd: {  	_ =	swait.ge [sflag:s3], $0x200  }
0xe: {  	s8 =	simm.s32 $0x80;
	[sflag:s3] =	ssyncset.done $0x0  }
0xf: {  	s9 =	simm.s32 $0x400;
	s7 =	sadd.s32 $0x3000, s10;
	[sflag:s3] =	ssyncadd.s32 $0xFFFFFE00  }
0x10: {  	[tilespmem:s9], [sflag:$0x1] =	stream.indirect.gather [hbm4b:s7+s8], $0x40, s2, s8, $0xb8;
	[tilespmem:$0xA400] =	vst v63  }
0x11: {  	s11 =	simm.s32 $0x8400;
	s10 =	sadd.s32 $0x3CA00, s10  }
0x12: {  	[tilespmem:s11], [sflag:$0x1] =	stream.indirect.gather [hbm4b:s10+s8], $0x10, s6, s8, $0xb8;
	[tilespmem:$0xA400] =	vst v63  }
0x13: {  	s12 =	simm.s32 $0x2400  }
0x14: {  	[tilespmem:s12], [sflag:$0x1] =	stream.indirect.gather [hbm4b:s7+s8], $0x40, s8, s8, $0xb8;
	[tilespmem:$0xA400] =	vst v63  }
0x15: {  	s13 =	simm.s32 $0x280;
	s14 =	simm.s32 $0x8C00  }
0x16: {  	[tilespmem:s14], [sflag:$0x1] =	stream.indirect.gather [hbm4b:s10+s8], $0x10, s13, s8, $0xb8;
	[tilespmem:$0xA400] =	vst v63  }
0x17: {  	s15 =	simm.s32 $0x100;
	s16 =	simm.s32 $0x4400  }
0x18: {  	[tilespmem:s16], [sflag:$0x1] =	stream.indirect.gather [hbm4b:s7+s8], $0x40, s15, s8, $0xb8;
	[tilespmem:$0xA400] =	vst v63  }
0x19: {  	s17 =	simm.s32 $0x300;
	s18 =	simm.s32 $0x9400  }
0x1a: {  	[tilespmem:s18], [sflag:$0x1] =	stream.indirect.gather [hbm4b:s10+s8], $0x10, s17, s8, $0xb8;
	[tilespmem:$0xA400] =	vst v63  }
0x1b: {  	s19 =	simm.s32 $0x180;
	s20 =	simm.s32 $0x6400  }
0x1c: {  	[tilespmem:s20], [sflag:$0x1] =	stream.indirect.gather [hbm4b:s7+s8], $0x40, s19, s8, $0xb8;
	[tilespmem:$0xA400] =	vst v63  }
0x1d: {  	s21 =	simm.s32 $0x380;
	s22 =	simm.s32 $0x9C00;
	s23 =	simm.s32 $0x1  }
0x1e: {  	[tilespmem:s22], [sflag:$0x1] =	stream.indirect.gather [hbm4b:s10+s8], $0x10, s21, s8, $0xb8;
	[tilespmem:$0xA400] =	vst v63  }
0x1f: {  	_ =	swait.ge [sflag:s23], $0x2000  }
0x20: {  	[sflag:s23] =	ssyncset.done $0x0  }
0x21: {  	[sflag:s23] =	ssyncadd.s32 $0xFFFFE000  }
0x22: {  	_ =	swait.ge [sflag:s23], $0x800  }
0x23: {  	[sflag:s23] =	ssyncset.done $0x0  }
0x24: {  	[sflag:s23] =	ssyncadd.s32 $0xFFFFF800  }
0x25: {  	_ =	swait.ge [sflag:s23], $0x2000  }
0x26: {  	[sflag:s23] =	ssyncset.done $0x0  }
0x27: {  	[sflag:s23] =	ssyncadd.s32 $0xFFFFE000  }
0x28: {  	_ =	swait.ge [sflag:s23], $0x800  }
0x29: {  	[sflag:s23] =	ssyncset.done $0x0  }
0x2a: {  	[sflag:s23] =	ssyncadd.s32 $0xFFFFF800  }
0x2b: {  	_ =	swait.ge [sflag:s23], $0x2000  }
0x2c: {  	[sflag:s23] =	ssyncset.done $0x0  }
0x2d: {  	[sflag:s23] =	ssyncadd.s32 $0xFFFFE000  }
0x2e: {  	_ =	swait.ge [sflag:s23], $0x800  }
0x2f: {  	[sflag:s23] =	ssyncset.done $0x0  }
0x30: {  	[sflag:s23] =	ssyncadd.s32 $0xFFFFF800  }
0x31: {  	_ =	swait.ge [sflag:s23], $0x2000  }
0x32: {  	[sflag:s23] =	ssyncset.done $0x0  }
0x33: {  	s31 =	ssub.s32 $0x2, s25;
	[sflag:s23] =	ssyncadd.s32 $0xFFFFE000  }
0x34: {  	s28 =	sshrl.u32 s31, $0x1;
	s26 =	sshll.u32 s26, $0x4;
	_ =	swait.ge [sflag:s23], $0x800  }
0x35: {  	s24 =	sadd.s32 s24, s26;
	s26 =	ssub.s32 s31, s28;
	[sflag:s23] =	ssyncset.done $0x0  }
0x36: {  	s25 =	simm.s32 $0x40;
	s29 =	smax.u32 s26, $0x1;
	[sflag:s23] =	ssyncadd.s32 $0xFFFFF800  }
0x37: {  	[hbm4b:s24+s25] =	stream.strided.scatter [tilespmem:s9], [sflag:$0x2], $0x8000, s8, s25, $0x38;
	[tilespmem:$0xA400] =	vst v63  }
0x38: {  	p0 =	sne.s32 s29, $0x1;
	_ =	swait.ge [sflag:s3], $0x8000  }
.Ltmp0:
0x39: {  	[sflag:s3] =	ssyncset.done $0x0;
	(pc) =	sbr.rel @!p0 .LBB2_2-.Ltmp0, $4  }
0x3a: {  	s28 =	simm.s32 $0x10;
	s26 =	sadd.s32 $0x8, s24;
	[sflag:s3] =	ssyncadd.s32 $0xFFFF8000  }
0x3b: {  	[hbm4b:s26+s28] =	stream.strided.scatter [tilespmem:s11], [sflag:$0x2], $0x2000, s8, s28, $0x38;
	[tilespmem:$0xA400] =	vst v63  }
0x3c: {  	_ =	swait.ge [sflag:s3], $0x2000  }
0x3d: {  	s29 =	sadd.s32 $0xFFFFFFFF, s29;
	[sflag:s3] =	ssyncset.done $0x0  }
.LBB2_1:
0x3e: {  	p0 =	sne.s32 s29, $0x1;
	s29 =	sadd.s32 $0xFFFFFFFF, s29;
	[sflag:s3] =	ssyncadd.s32 $0xFFFFE000  }
0x3f: {  	[tilespmem:s2], [sflag:$0x2] =	stream.linear.gather [hbm4b:s4+s2], $0x200, $0x38;
	[tilespmem:$0xA400] =	vst v63  }
0x40: {  	_ =	swait.ge [sflag:s3], $0x200  }
0x41: {  	[sflag:s3] =	ssyncset.done $0x0  }
0x42: {  	[sflag:s3] =	ssyncadd.s32 $0xFFFFFE00  }
0x43: {  	[tilespmem:s6], [sflag:$0x2] =	stream.linear.gather [hbm4b:s5+s2], $0x200, $0x38;
	[tilespmem:$0xA400] =	vst v63  }
0x44: {  	_ =	swait.ge [sflag:s3], $0x200  }
0x45: {  	[sflag:s3] =	ssyncset.done $0x0  }
0x46: {  	[sflag:s3] =	ssyncadd.s32 $0xFFFFFE00  }
0x47: {  	[tilespmem:s9], [sflag:$0x1] =	stream.indirect.gather [hbm4b:s7+s8], $0x40, s2, s8, $0xb8;
	[tilespmem:$0xA400] =	vst v63  }
0x48: {  	_ = 	snop  }
0x49: {  	[tilespmem:s11], [sflag:$0x1] =	stream.indirect.gather [hbm4b:s10+s8], $0x10, s6, s8, $0xb8;
	[tilespmem:$0xA400] =	vst v63  }
0x4a: {  	_ = 	snop  }
0x4b: {  	[tilespmem:s12], [sflag:$0x1] =	stream.indirect.gather [hbm4b:s7+s8], $0x40, s8, s8, $0xb8;
	[tilespmem:$0xA400] =	vst v63  }
0x4c: {  	_ = 	snop  }
0x4d: {  	[tilespmem:s14], [sflag:$0x1] =	stream.indirect.gather [hbm4b:s10+s8], $0x10, s13, s8, $0xb8;
	[tilespmem:$0xA400] =	vst v63  }
0x4e: {  	_ = 	snop  }
0x4f: {  	[tilespmem:s16], [sflag:$0x1] =	stream.indirect.gather [hbm4b:s7+s8], $0x40, s15, s8, $0xb8;
	[tilespmem:$0xA400] =	vst v63  }
0x50: {  	_ = 	snop  }
0x51: {  	[tilespmem:s18], [sflag:$0x1] =	stream.indirect.gather [hbm4b:s10+s8], $0x10, s17, s8, $0xb8;
	[tilespmem:$0xA400] =	vst v63  }
0x52: {  	_ = 	snop  }
0x53: {  	[tilespmem:s20], [sflag:$0x1] =	stream.indirect.gather [hbm4b:s7+s8], $0x40, s19, s8, $0xb8;
	[tilespmem:$0xA400] =	vst v63  }
0x54: {  	_ = 	snop  }
0x55: {  	[tilespmem:s22], [sflag:$0x1] =	stream.indirect.gather [hbm4b:s10+s8], $0x10, s21, s8, $0xb8;
	[tilespmem:$0xA400] =	vst v63  }
0x56: {  	_ =	swait.ge [sflag:s23], $0x2000  }
0x57: {  	[sflag:s23] =	ssyncset.done $0x0  }
0x58: {  	[sflag:s23] =	ssyncadd.s32 $0xFFFFE000  }
0x59: {  	_ =	swait.ge [sflag:s23], $0x800  }
0x5a: {  	[sflag:s23] =	ssyncset.done $0x0  }
0x5b: {  	[sflag:s23] =	ssyncadd.s32 $0xFFFFF800  }
0x5c: {  	_ =	swait.ge [sflag:s23], $0x2000  }
0x5d: {  	[sflag:s23] =	ssyncset.done $0x0  }
0x5e: {  	[sflag:s23] =	ssyncadd.s32 $0xFFFFE000  }
0x5f: {  	_ =	swait.ge [sflag:s23], $0x800  }
0x60: {  	[sflag:s23] =	ssyncset.done $0x0  }
0x61: {  	[sflag:s23] =	ssyncadd.s32 $0xFFFFF800  }
0x62: {  	_ =	swait.ge [sflag:s23], $0x2000  }
0x63: {  	[sflag:s23] =	ssyncset.done $0x0  }
0x64: {  	[sflag:s23] =	ssyncadd.s32 $0xFFFFE000  }
0x65: {  	_ =	swait.ge [sflag:s23], $0x800  }
0x66: {  	[sflag:s23] =	ssyncset.done $0x0  }
0x67: {  	[sflag:s23] =	ssyncadd.s32 $0xFFFFF800  }
0x68: {  	_ =	swait.ge [sflag:s23], $0x2000  }
0x69: {  	[sflag:s23] =	ssyncset.done $0x0  }
0x6a: {  	[sflag:s23] =	ssyncadd.s32 $0xFFFFE000  }
0x6b: {  	_ =	swait.ge [sflag:s23], $0x800  }
0x6c: {  	[sflag:s23] =	ssyncset.done $0x0  }
0x6d: {  	[sflag:s23] =	ssyncadd.s32 $0xFFFFF800  }
0x6e: {  	[hbm4b:s24+s25] =	stream.strided.scatter [tilespmem:s9], [sflag:$0x2], $0x8000, s8, s25, $0x38;
	[tilespmem:$0xA400] =	vst v63  }
0x6f: {  	_ =	swait.ge [sflag:s3], $0x8000  }
.Ltmp1:
0x70: {  	[sflag:s3] =	ssyncset.done $0x0;
	(pc) =	sbr.rel @p0 .LBB2_1-.Ltmp1, $4  }
0x71: {  	[sflag:s3] =	ssyncadd.s32 $0xFFFF8000  }
0x72: {  	[hbm4b:s26+s28] =	stream.strided.scatter [tilespmem:s11], [sflag:$0x2], $0x2000, s8, s28, $0x38;
	[tilespmem:$0xA400] =	vst v63  }
0x73: {  	_ =	swait.ge [sflag:s3], $0x2000  }
0x74: {  	[sflag:s3] =	ssyncset.done $0x0  }
.LBB2_2:
0x75: {  	[sflag:s3] =	ssyncadd.s32 $0xFFFFE000  }
0x76: {  	_ =	sfence.sel $0x180000  }
0x77: {  	[bflag:$0x0] =	sbarrier.arrive $0xFFFF  }
0x78: {  	p0 =	sne.s32 s0, $0x0;
	_ =	strace $0x90000047  }
0x79: {  	s0 =	sadd.s32 @!p0 $0x100000, s1;
	[bflag:$0x2] =	sbarrier.arrive $0xFFFF  }
0x7a: {  	[sflag:s0] =	ssyncadd.tile.s32 @!p0 $0x1;
	_ =	shalt  }
.Lfunc_end2:
_tile_overlayer_lowered:
.L_overlay_start_2:
0x7b: {  	(tag) =	ssettag $0x2  }
0x7c: {  	s0 =	rddreg [dreg:$0x0];
	s2 =	stileid.u32  }
0x7d: {  	s1 =	rddreg [dreg:$0x1];
	p0 =	sne.s32 s2, $0x0  }
0x7e: {  	s3 =	rddreg [dreg:$0x2];
	[bflag:$0x3] =	sbarrier.arrive $0xFFFF;
	s2 =	simm.s32 @!p0 $0x1C02  }
0x7f: {  	[timem:s3], [sflag:s2] =	dma.local @!p0 [hbm:s0], s1  }
0x80: {  	s0 =	simm.s32 @!p0 $0x2  }
0x81: {  	_ =	swait.ge @!p0 [sflag:s0], s1  }
0x82: {  	s1 =	ssub.s32 @!p0 $0x0, s1;
	[sflag:s0] =	ssyncset.done @!p0 $0x0  }
0x83: {  	[sflag:s0] =	ssyncadd.s32 @!p0 s1  }
0x84: {  	[bflag:$0x3] =	sbarrier.arrive $0xFFFF  }
0x85: {  	_ =	shalt  }

</sc_bundles>
